<compile_context>
chip_gen: v7x
topology: tpu7x:2x2x1
jax: 0.10.2.dev20260603
libtpu: 0.0.44.dev20260713+nightly
codegen_flags: <defaults>
</compile_context>

<pallas_src>
import functools

import jax
import jax.numpy as jnp
from jax import lax
from jax.experimental import pallas as pl
from jax.experimental.pallas import tpu as pltpu
from jax.experimental.pallas import tpu_sc as plsc

_NC = 2
_NS = 16
_NW = _NC * _NS

_RELAYOUT_BLOCK = 32768


def _relayout_body(src_ref, out_ref):
    t = jnp.transpose(src_ref[...], (1, 0))
    h = t.shape[0] // 2
    out_ref[...] = jnp.concatenate([t[:h], t[h:]], axis=1)


@functools.lru_cache(maxsize=None)
def _make_relayout(E, V):
    grid = (V + _RELAYOUT_BLOCK - 1) // _RELAYOUT_BLOCK
    return pl.pallas_call(
        _relayout_body,
        grid=(grid,),
        in_specs=[pl.BlockSpec((E, _RELAYOUT_BLOCK), lambda i: (0, i))],
        out_specs=pl.BlockSpec((_RELAYOUT_BLOCK // 2, 2 * E), lambda i: (i, 0)),
        out_shape=jax.ShapeDtypeStruct((grid * (_RELAYOUT_BLOCK // 2), 2 * E),
                                       jnp.float32),
        compiler_params=pltpu.CompilerParams(
            vmem_limit_bytes=128 * 1024 * 1024),
    )


@functools.lru_cache(maxsize=None)
def _make_sc_gather(V, D, B):
    assert B % (16 * _NW) == 0 and D % 16 == 0
    b_per_w = B // _NW
    mesh = plsc.VectorSubcoreMesh(core_axis_name="c", subcore_axis_name="s")

    @functools.partial(
        pl.kernel,
        mesh=mesh,
        out_type=jax.ShapeDtypeStruct((B, D), jnp.float32),
        scratch_types=[
            pltpu.VMEM((b_per_w,), jnp.int32),
            pltpu.VMEM((b_per_w, D), jnp.float32),
            pltpu.SemaphoreType.DMA,
        ],
    )
    def gather_kernel(table_hbm, idx_hbm, out_hbm, idx_v, rows_v, sem):
        wid = lax.axis_index("s") * _NC + lax.axis_index("c")
        base = wid * b_per_w
        pltpu.sync_copy(idx_hbm.at[pl.ds(base, b_per_w)], idx_v)
        pltpu.async_copy(table_hbm.at[idx_v], rows_v, sem).wait()
        pltpu.sync_copy(rows_v, out_hbm.at[pl.ds(base, b_per_w)])

    return gather_kernel


def _lstm_body(x_ref, par_ref, wih_ref, whh_ref, b_ref, wfc_ref, bfc_ref,
               out_ref, h_scr, c_scr):
    E2 = x_ref.shape[1]
    H = whh_ref.shape[0]
    B = h_scr.shape[0]
    T = x_ref.shape[0] // B
    h_scr[...] = jnp.zeros_like(h_scr)
    c_scr[...] = jnp.zeros_like(c_scr)
    col = lax.broadcasted_iota(jnp.int32, (B, E2), 1)

    def step(t, carry):
        p = par_ref[t]
        want_low = (col < E2 // 2) == (p == 0)
        xt = jnp.where(want_low, x_ref[pl.ds(t * B, B)],
                       0.0).astype(jnp.bfloat16)
        gates = (
            jnp.dot(xt, wih_ref[...], preferred_element_type=jnp.float32)
            + jnp.dot(h_scr[...], whh_ref[...],
                      preferred_element_type=jnp.float32)
            + b_ref[...]
        )
        i = jax.nn.sigmoid(gates[:, :H])
        f = jax.nn.sigmoid(gates[:, H:2 * H])
        g = jnp.tanh(gates[:, 2 * H:3 * H])
        o = jax.nn.sigmoid(gates[:, 3 * H:])
        c = f * c_scr[...] + i * g
        c_scr[...] = c
        h_scr[...] = (o * jnp.tanh(c)).astype(jnp.bfloat16)
        return carry

    lax.fori_loop(0, T, step, 0)
    out_ref[...] = (
        jnp.dot(h_scr[...], wfc_ref[...], preferred_element_type=jnp.float32)
        + bfc_ref[...]
    )


def kernel(text, emb, W_ih, W_hh, b_ih, b_hh, W_fc, b_fc):
    T, B = text.shape
    V, E = emb.shape
    H = W_hh.shape[1]
    NC = W_fc.shape[0]

    table_p = _make_relayout(E, V)(emb.T)
    idx = text.reshape(T * B)
    lb = _RELAYOUT_BLOCK.bit_length() - 1
    hb = lb - 1
    idx2 = ((idx >> lb) << hb) | (idx & ((1 << hb) - 1))
    x_flat = _make_sc_gather(table_p.shape[0], 2 * E, T * B)(table_p, idx2)
    par = ((text >> hb) & 1).reshape(T, B, 1)

    wih_t = jnp.concatenate([W_ih.T, W_ih.T], axis=0).astype(jnp.bfloat16)
    whh_t = W_hh.T.astype(jnp.bfloat16)
    bias = (b_ih + b_hh).reshape(1, 4 * H)
    NCP = 128
    wfc_t = jnp.zeros((H, NCP), jnp.bfloat16).at[:, :NC].set(
        W_fc.T.astype(jnp.bfloat16))
    bfc = jnp.zeros((1, NCP), jnp.float32).at[:, :NC].set(b_fc)

    out = pl.pallas_call(
        _lstm_body,
        out_shape=jax.ShapeDtypeStruct((B, NCP), jnp.float32),
        scratch_shapes=[
            pltpu.VMEM((B, H), jnp.bfloat16),
            pltpu.VMEM((B, H), jnp.float32),
        ],
    )(x_flat, par, wih_t, whh_t, bias, wfc_t, bfc)
    return out[:, :NC]

# --- scband reference (transcript-rebuilt; emitter-appended) ---
"""Pipeline reference for scband-text-classifier-11501922418759 (READ-ONLY COPY).

The authoritative reference and input builder live on the scoring server;
editing this copy changes nothing except your own understanding.
"""

import jax, jax.numpy as jnp
import numpy as np

VOCAB = 1000000
EMBED = 64
HIDDEN = 512
NUM_CLASSES = 2
SEQ = 20
BATCH = 1024


def setup_inputs(seed: int = 0) -> dict:
    key = jax.random.key(seed)
    ks = jax.random.split(key, 8)
    text = jax.random.randint(ks[0], (SEQ, BATCH), 0, VOCAB, dtype=jnp.int64 if jax.config.jax_enable_x64 else jnp.int32).astype(jnp.int32)
    emb = jax.random.normal(ks[1], (VOCAB, EMBED), dtype=jnp.float32) * 0.05
    # PyTorch LSTM params: gate order i, f, g, o stacked along dim 0 -> [4H, E] / [4H, H]
    k = 1.0 / np.sqrt(HIDDEN)
    W_ih = jax.random.uniform(ks[2], (4 * HIDDEN, EMBED), dtype=jnp.float32, minval=-k, maxval=k)
    W_hh = jax.random.uniform(ks[3], (4 * HIDDEN, HIDDEN), dtype=jnp.float32, minval=-k, maxval=k)
    b_ih = jax.random.uniform(ks[4], (4 * HIDDEN,), dtype=jnp.float32, minval=-k, maxval=k)
    b_hh = jax.random.uniform(ks[5], (4 * HIDDEN,), dtype=jnp.float32, minval=-k, maxval=k)
    kf = 1.0 / np.sqrt(HIDDEN)
    W_fc = jax.random.uniform(ks[6], (NUM_CLASSES, HIDDEN), dtype=jnp.float32, minval=-kf, maxval=kf)
    b_fc = jax.random.uniform(ks[7], (NUM_CLASSES,), dtype=jnp.float32, minval=-kf, maxval=kf)
    return {"text": text, "emb": emb, "W_ih": W_ih, "W_hh": W_hh, "b_ih": b_ih, "b_hh": b_hh, "W_fc": W_fc, "b_fc": b_fc}


def reference(text, emb, W_ih, W_hh, b_ih, b_hh, W_fc, b_fc):
    # embedding lookup: [T, B] -> [T, B, E]
    x = jnp.take(emb, text, axis=0)
    T, B, E = x.shape
    H = W_hh.shape[1]
    h0 = jnp.zeros((B, H), dtype=x.dtype)
    c0 = jnp.zeros((B, H), dtype=x.dtype)

    def step(carry, xt):
        h, c = carry
        gates = xt @ W_ih.T + b_ih + h @ W_hh.T + b_hh
        i, f, g, o = jnp.split(gates, 4, axis=-1)
        i = jax.nn.sigmoid(i)
        f = jax.nn.sigmoid(f)
        g = jnp.tanh(g)
        o = jax.nn.sigmoid(o)
        c_new = f * c + i * g
        h_new = o * jnp.tanh(c_new)
        return (h_new, c_new), h_new

    (h_T, c_T), _ = jax.lax.scan(step, (h0, c0), x)
    # hidden.squeeze(0) -> [B, H]; fc -> [B, num_classes]
    out = h_T @ W_fc.T + b_fc
    return out


if False:  # reference __main__ guard neutralized (emitter)
    inp = setup_inputs()
    out = reference(**inp)
    print(out.shape)

if __name__ == "__main__":
    import jax
    _d = setup_inputs()
    print(jax.jit(kernel)(*tuple(_d.values())))

</pallas_src>

<mosaic_0001>
#map = affine_map<(d0, d1) -> (0, 0)>
#map1 = affine_map<(d0, d1) -> (0)>
module attributes {stable_mosaic.version = 14 : i64} {
  func.func @gather_kernel(%arg0: i32, %arg1: i32, %arg2: memref<507904x128xf32, #tpu.memory_space<hbm>>, %arg3: memref<20480xi32, #tpu.memory_space<hbm>>, %arg4: memref<20480x128xf32, #tpu.memory_space<hbm>>, %arg5: memref<640xi32, #tpu.memory_space<vmem>>, %arg6: memref<640x128xf32, #tpu.memory_space<vmem>>, %arg7: memref<!tpu.dma_semaphore, #tpu.memory_space<semaphore_mem>>) attributes {dimension_semantics = [#tpu.dimension_semantics<core_parallel>, #tpu.dimension_semantics<subcore_parallel>], iteration_bounds = array<i64: 2, 16>, scalar_prefetch = 0 : i64, scratch_operands = 3 : i64, tpu.core_type = #tpu.core_type<sc_vector_subcore>, window_params = [{transform_indices = #map}, {transform_indices = #map1}, {transform_indices = #map}]} {
    %mul3A = arith.constant 2 : i32
    %mul3A_0 = arith.muli %arg1, %mul3A : i32
    %add3A = arith.addi %mul3A_0, %arg0 : i32
    %mul3A_1 = arith.constant 640 : i32
    %mul3A_2 = arith.muli %add3A, %mul3A_1 : i32
    "tpu.region"() ({
      %run_scoped3A = tpu.sem_alloc : memref<!tpu.dma_semaphore, #tpu.memory_space<semaphore_mem>>
      %dma_start3A_7 = tpu.memref_slice %arg3[%mul3A_2] : memref<20480xi32, #tpu.memory_space<hbm>> -> memref<640xi32, #tpu.memory_space<hbm>>
      %dma_start3A_8 = tpu.memref_slice %arg3[%mul3A_2] : memref<20480xi32, #tpu.memory_space<hbm>> -> memref<640xi32, #tpu.memory_space<hbm>>
      tpu.enqueue_dma source(%dma_start3A_8 : memref<640xi32, #tpu.memory_space<hbm>>) target(%arg5 : memref<640xi32, #tpu.memory_space<vmem>>) target_semaphore(%run_scoped3A : memref<!tpu.dma_semaphore, #tpu.memory_space<semaphore_mem>>)
      %dma_wait3A_9 = tpu.memref_slice %arg3[%mul3A_2] : memref<20480xi32, #tpu.memory_space<hbm>> -> memref<640xi32, #tpu.memory_space<hbm>>
      %dma_wait3A_10 = tpu.memref_slice %arg3[%mul3A_2] : memref<20480xi32, #tpu.memory_space<hbm>> -> memref<640xi32, #tpu.memory_space<hbm>>
      tpu.wait_dma2 semaphore(%run_scoped3A : memref<!tpu.dma_semaphore, #tpu.memory_space<semaphore_mem>>) src(%dma_wait3A_10 : memref<640xi32, #tpu.memory_space<hbm>>) dst(%arg5 : memref<640xi32, #tpu.memory_space<vmem>>)
      tpu.yield
    }) : () -> ()
    %dma_start3A = arith.constant 0 : i32
    %dma_start3A_3 = arith.constant 0 : i32
    %dma_start3A_4 = tpu.memref_slice %arg2[%dma_start3A, %dma_start3A_3] : memref<507904x128xf32, #tpu.memory_space<hbm>> -> memref<507904x128xf32, #tpu.memory_space<hbm>>
    tpu.enqueue_indirect_dma source(%dma_start3A_4 : memref<507904x128xf32, #tpu.memory_space<hbm>>) target(%arg6 : memref<640x128xf32, #tpu.memory_space<vmem>>) offsets(%arg5 : memref<640xi32, #tpu.memory_space<vmem>>) semaphore(%arg7 : memref<!tpu.dma_semaphore, #tpu.memory_space<semaphore_mem>>)
    %dma_wait3A = arith.constant 0 : i32
    %dma_wait3A_5 = arith.constant 0 : i32
    %dma_wait3A_6 = tpu.memref_slice %arg2[%dma_wait3A, %dma_wait3A_5] : memref<507904x128xf32, #tpu.memory_space<hbm>> -> memref<507904x128xf32, #tpu.memory_space<hbm>>
    tpu.wait_indirect_dma semaphore(%arg7 : memref<!tpu.dma_semaphore, #tpu.memory_space<semaphore_mem>>) src(%dma_wait3A_6 : memref<507904x128xf32, #tpu.memory_space<hbm>>) dst(%arg6 : memref<640x128xf32, #tpu.memory_space<vmem>>)
    "tpu.region"() ({
      %run_scoped3A = tpu.sem_alloc : memref<!tpu.dma_semaphore, #tpu.memory_space<semaphore_mem>>
      %dma_start3A_7 = arith.constant 0 : i32
      %dma_start3A_8 = tpu.memref_slice %arg4[%mul3A_2, %dma_start3A_7] : memref<20480x128xf32, #tpu.memory_space<hbm>> -> memref<640x128xf32, #tpu.memory_space<hbm>>
      %dma_start3A_9 = arith.constant 0 : i32
      %dma_start3A_10 = tpu.memref_slice %arg4[%mul3A_2, %dma_start3A_9] : memref<20480x128xf32, #tpu.memory_space<hbm>> -> memref<640x128xf32, #tpu.memory_space<hbm>>
      tpu.enqueue_dma source(%arg6 : memref<640x128xf32, #tpu.memory_space<vmem>>) target(%dma_start3A_10 : memref<640x128xf32, #tpu.memory_space<hbm>>) target_semaphore(%run_scoped3A : memref<!tpu.dma_semaphore, #tpu.memory_space<semaphore_mem>>)
      %dma_wait3A_11 = arith.constant 0 : i32
      %dma_wait3A_12 = tpu.memref_slice %arg4[%mul3A_2, %dma_wait3A_11] : memref<20480x128xf32, #tpu.memory_space<hbm>> -> memref<640x128xf32, #tpu.memory_space<hbm>>
      %dma_wait3A_13 = arith.constant 0 : i32
      %dma_wait3A_14 = tpu.memref_slice %arg4[%mul3A_2, %dma_wait3A_13] : memref<20480x128xf32, #tpu.memory_space<hbm>> -> memref<640x128xf32, #tpu.memory_space<hbm>>
      tpu.wait_dma2 semaphore(%run_scoped3A : memref<!tpu.dma_semaphore, #tpu.memory_space<semaphore_mem>>) src(%arg6 : memref<640x128xf32, #tpu.memory_space<vmem>>) dst(%dma_wait3A_14 : memref<640x128xf32, #tpu.memory_space<hbm>>)
      tpu.yield
    }) : () -> ()
    return
  }
}

module attributes {stable_mosaic.version = 14 : i64} {
  func.func @_relayout_body(%arg0: i32, %arg1: memref<64x32768xf32, #tpu.memory_space<vmem>>, %arg2: memref<16384x128xf32, #tpu.memory_space<vmem>>) attributes {dimension_semantics = [#tpu.dimension_semantics<arbitrary>], iteration_bounds = array<i64: 31>, scalar_prefetch = 0 : i64, scratch_operands = 0 : i64, tpu.core_type = #tpu.core_type<tc>, window_params = [{transform_indices = @transform_0, window_bounds = array<i64: 64, 32768>}, {transform_indices = @transform_1, window_bounds = array<i64: 16384, 128>}]} {
    %get3A = arith.constant 0 : index
    %get3A_0 = arith.constant 0 : index
    %get3A_1 = vector.load %arg1[%get3A, %get3A_0] : memref<64x32768xf32, #tpu.memory_space<vmem>>, vector<64x32768xf32>
    %transpose3A = tpu.transpose %get3A_1, [1, 0] : vector<64x32768xf32> -> vector<32768x64xf32>
    %slice3A = vector.extract_strided_slice %transpose3A {offsets = [0, 0], sizes = [16384, 64], strides = [1, 1]} : vector<32768x64xf32> to vector<16384x64xf32>
    %slice3A_2 = vector.extract_strided_slice %transpose3A {offsets = [16384, 0], sizes = [16384, 64], strides = [1, 1]} : vector<32768x64xf32> to vector<16384x64xf32>
    %concatenate3A = tpu.concatenate %slice3A, %slice3A_2 in 1 : vector<16384x64xf32>, vector<16384x64xf32> -> vector<16384x128xf32>
    %swap3A = arith.constant 0 : index
    %swap3A_3 = arith.constant 0 : index
    %swap3A_4 = vector.load %arg2[%swap3A, %swap3A_3] : memref<16384x128xf32, #tpu.memory_space<vmem>>, vector<16384x128xf32>
    tpu.vector_store %arg2[%swap3A, %swap3A_3], %concatenate3A {strides = array<i32>} : memref<16384x128xf32, #tpu.memory_space<vmem>>, vector<16384x128xf32>,
    return
  }
  func.func @transform_0(%arg0: i32) -> (i32, i32) {
    %c0_i32 = arith.constant 0 : i32
    %c0_i32_0 = arith.constant 0 : i32
    return %c0_i32, %arg0 : i32, i32
  }
  func.func @transform_1(%arg0: i32) -> (i32, i32) {
    %c0_i32 = arith.constant 0 : i32
    %c0_i32_0 = arith.constant 0 : i32
    return %arg0, %c0_i32 : i32, i32
  }
}

module attributes {stable_mosaic.version = 14 : i64} {
  func.func @_lstm_body(%arg0: memref<20480x128xf32, #tpu.memory_space<vmem>>, %arg1: memref<20x1024x1xi32, #tpu.memory_space<vmem>>, %arg2: memref<128x2048xbf16, #tpu.memory_space<vmem>>, %arg3: memref<512x2048xbf16, #tpu.memory_space<vmem>>, %arg4: memref<1x2048xf32, #tpu.memory_space<vmem>>, %arg5: memref<512x128xbf16, #tpu.memory_space<vmem>>, %arg6: memref<1x128xf32, #tpu.memory_space<vmem>>, %arg7: memref<1024x128xf32, #tpu.memory_space<vmem>>, %arg8: memref<1024x512xbf16, #tpu.memory_space<vmem>>, %arg9: memref<1024x512xf32, #tpu.memory_space<vmem>>) attributes {dimension_semantics = [], scalar_prefetch = 0 : i64, scratch_operands = 2 : i64, tpu.core_type = #tpu.core_type<tc>} {
    %broadcast_in_dim3A = arith.constant 0.000000e+00 : bf16
    %broadcast_in_dim3A_0 = vector.broadcast %broadcast_in_dim3A : bf16 to vector<1024x512xbf16>
    %swap3A = arith.constant 0 : index
    %swap3A_1 = arith.constant 0 : index
    %swap3A_2 = vector.load %arg8[%swap3A, %swap3A_1] : memref<1024x512xbf16, #tpu.memory_space<vmem>>, vector<1024x512xbf16>
    tpu.vector_store %arg8[%swap3A, %swap3A_1], %broadcast_in_dim3A_0 {strides = array<i32>} : memref<1024x512xbf16, #tpu.memory_space<vmem>>, vector<1024x512xbf16>,
    %broadcast_in_dim3A_3 = arith.constant 0.000000e+00 : f32
    %broadcast_in_dim3A_4 = vector.broadcast %broadcast_in_dim3A_3 : f32 to vector<1024x512xf32>
    %swap3A_5 = arith.constant 0 : index
    %swap3A_6 = arith.constant 0 : index
    %swap3A_7 = vector.load %arg9[%swap3A_5, %swap3A_6] : memref<1024x512xf32, #tpu.memory_space<vmem>>, vector<1024x512xf32>
    tpu.vector_store %arg9[%swap3A_5, %swap3A_6], %broadcast_in_dim3A_4 {strides = array<i32>} : memref<1024x512xf32, #tpu.memory_space<vmem>>, vector<1024x512xf32>,
    %iota3A = tpu.iota {dimensions = array<i32: 1>} : vector<1024x128xi32>
    %scan3A = arith.constant 0 : i32
    %scan3A_8 = arith.constant 20 : i32
    %scan3A_9 = arith.addi %scan3A, %scan3A_8 : i32
    %scan3A_10 = arith.constant 1 : i32
    scf.for %scan3A_25 = %scan3A to %scan3A_9 step %scan3A_10  : i32 {
      %get3A_26 = arith.index_cast %scan3A_25 : i32 to index
      %get3A_27 = arith.constant 0 : index
      %get3A_28 = arith.constant 0 : index
      %get3A_29 = vector.load %arg1[%get3A_26, %get3A_27, %get3A_28] : memref<20x1024x1xi32, #tpu.memory_space<vmem>>, vector<1x1024x1xi32>
      %get3A_30 = vector.shape_cast %get3A_29 : vector<1x1024x1xi32> to vector<1024x1xi32>
      %lt3A = arith.constant 64 : i32
      %lt3A_31 = vector.broadcast %lt3A : i32 to vector<1024x128xi32>
      %lt3A_32 = arith.cmpi slt, %iota3A, %lt3A_31 : vector<1024x128xi32>
      %eq3A = arith.constant 0 : i32
      %eq3A_33 = vector.broadcast %eq3A : i32 to vector<1024x1xi32>
      %eq3A_34 = arith.cmpi eq, %get3A_30, %eq3A_33 : vector<1024x1xi32>
      %eq3A_35 = vector.broadcast %eq3A_34 : vector<1024x1xi1> to vector<1024x128xi1>
      %eq3A_36 = vector.broadcast %eq3A_35 : vector<1024x128xi1> to vector<1024x128xi1>
      %eq3A_37 = arith.xori %lt3A_32, %eq3A_36 : vector<1024x128xi1>
      %eq3A_38 = arith.constant dense<true> : vector<1024x128xi1>
      %eq3A_39 = arith.xori %eq3A_37, %eq3A_38 : vector<1024x128xi1>
      %mul3A = arith.constant 1024 : i32
      %mul3A_40 = arith.muli %scan3A_25, %mul3A : i32
      %get3A_41 = arith.index_cast %mul3A_40 : i32 to index
      %get3A_42 = arith.constant 0 : index
      %get3A_43 = vector.load %arg0[%get3A_41, %get3A_42] : memref<20480x128xf32, #tpu.memory_space<vmem>>, vector<1024x128xf32>
      %jit3A = arith.constant 0.000000e+00 : f32
      %broadcast_in_dim3A_44 = vector.broadcast %jit3A : f32 to vector<1024x128xf32>
      %select_n3A = arith.select %eq3A_39, %get3A_43, %broadcast_in_dim3A_44 : vector<1024x128xi1>, vector<1024x128xf32>
      %convert_element_type3A = arith.truncf %select_n3A : vector<1024x128xf32> to vector<1024x128xbf16>
      %get3A_45 = arith.constant 0 : index
      %get3A_46 = arith.constant 0 : index
      %get3A_47 = vector.load %arg2[%get3A_45, %get3A_46] : memref<128x2048xbf16, #tpu.memory_space<vmem>>, vector<128x2048xbf16>
      %dot_general3A_48 = arith.constant dense<0.000000e+00> : vector<1024x2048xf32>
      %dot_general3A_49 = tpu.matmul %convert_element_type3A, %get3A_47, %dot_general3A_48 {dimension_numbers = #tpu.dot_dimension_numbers<[1], [0], [0], [1], [0, 0, 1, 1], [], []>, transpose_lhs_hint = false} : vector<1024x128xbf16>, vector<128x2048xbf16>, vector<1024x2048xf32> -> vector<1024x2048xf32>
      %get3A_50 = arith.constant 0 : index
      %get3A_51 = arith.constant 0 : index
      %get3A_52 = vector.load %arg8[%get3A_50, %get3A_51] : memref<1024x512xbf16, #tpu.memory_space<vmem>>, vector<1024x512xbf16>
      %get3A_53 = arith.constant 0 : index
      %get3A_54 = arith.constant 0 : index
      %get3A_55 = vector.load %arg3[%get3A_53, %get3A_54] : memref<512x2048xbf16, #tpu.memory_space<vmem>>, vector<512x2048xbf16>
      %dot_general3A_56 = arith.constant dense<0.000000e+00> : vector<1024x2048xf32>
      %dot_general3A_57 = tpu.matmul %get3A_52, %get3A_55, %dot_general3A_56 {dimension_numbers = #tpu.dot_dimension_numbers<[1], [0], [0], [1], [0, 0, 1, 1], [], []>, transpose_lhs_hint = false} : vector<1024x512xbf16>, vector<512x2048xbf16>, vector<1024x2048xf32> -> vector<1024x2048xf32>
      %add3A_58 = arith.addf %dot_general3A_49, %dot_general3A_57 : vector<1024x2048xf32>
      %get3A_59 = arith.constant 0 : index
      %get3A_60 = arith.constant 0 : index
      %get3A_61 = vector.load %arg4[%get3A_59, %get3A_60] : memref<1x2048xf32, #tpu.memory_space<vmem>>, vector<1x2048xf32>
      %add3A_62 = vector.broadcast %get3A_61 : vector<1x2048xf32> to vector<1024x2048xf32>
      %add3A_63 = arith.addf %add3A_58, %add3A_62 : vector<1024x2048xf32>
      %slice3A = vector.extract_strided_slice %add3A_63 {offsets = [0, 0], sizes = [1024, 512], strides = [1, 1]} : vector<1024x2048xf32> to vector<1024x512xf32>
      %logistic3A = arith.negf %slice3A : vector<1024x512xf32>
      %logistic3A_64 = math.exp %logistic3A : vector<1024x512xf32>
      %logistic3A_65 = arith.constant 1.000000e+00 : f32
      %logistic3A_66 = vector.broadcast %logistic3A_65 : f32 to vector<1024x512xf32>
      %logistic3A_67 = arith.addf %logistic3A_66, %logistic3A_64 : vector<1024x512xf32>
      %logistic3A_68 = arith.divf %logistic3A_66, %logistic3A_67 : vector<1024x512xf32>
      %slice3A_69 = vector.extract_strided_slice %add3A_63 {offsets = [0, 512], sizes = [1024, 512], strides = [1, 1]} : vector<1024x2048xf32> to vector<1024x512xf32>
      %logistic3A_70 = arith.negf %slice3A_69 : vector<1024x512xf32>
      %logistic3A_71 = math.exp %logistic3A_70 : vector<1024x512xf32>
      %logistic3A_72 = arith.constant 1.000000e+00 : f32
      %logistic3A_73 = vector.broadcast %logistic3A_72 : f32 to vector<1024x512xf32>
      %logistic3A_74 = arith.addf %logistic3A_73, %logistic3A_71 : vector<1024x512xf32>
      %logistic3A_75 = arith.divf %logistic3A_73, %logistic3A_74 : vector<1024x512xf32>
      %slice3A_76 = vector.extract_strided_slice %add3A_63 {offsets = [0, 1024], sizes = [1024, 512], strides = [1, 1]} : vector<1024x2048xf32> to vector<1024x512xf32>
      %tanh3A = math.tanh %slice3A_76 : vector<1024x512xf32>
      %slice3A_77 = vector.extract_strided_slice %add3A_63 {offsets = [0, 1536], sizes = [1024, 512], strides = [1, 1]} : vector<1024x2048xf32> to vector<1024x512xf32>
      %logistic3A_78 = arith.negf %slice3A_77 : vector<1024x512xf32>
      %logistic3A_79 = math.exp %logistic3A_78 : vector<1024x512xf32>
      %logistic3A_80 = arith.constant 1.000000e+00 : f32
      %logistic3A_81 = vector.broadcast %logistic3A_80 : f32 to vector<1024x512xf32>
      %logistic3A_82 = arith.addf %logistic3A_81, %logistic3A_79 : vector<1024x512xf32>
      %logistic3A_83 = arith.divf %logistic3A_81, %logistic3A_82 : vector<1024x512xf32>
      %get3A_84 = arith.constant 0 : index
      %get3A_85 = arith.constant 0 : index
      %get3A_86 = vector.load %arg9[%get3A_84, %get3A_85] : memref<1024x512xf32, #tpu.memory_space<vmem>>, vector<1024x512xf32>
      %mul3A_87 = arith.mulf %logistic3A_75, %get3A_86 : vector<1024x512xf32>
      %mul3A_88 = arith.mulf %logistic3A_68, %tanh3A : vector<1024x512xf32>
      %add3A_89 = arith.addf %mul3A_87, %mul3A_88 : vector<1024x512xf32>
      %swap3A_90 = arith.constant 0 : index
      %swap3A_91 = arith.constant 0 : index
      %swap3A_92 = vector.load %arg9[%swap3A_90, %swap3A_91] : memref<1024x512xf32, #tpu.memory_space<vmem>>, vector<1024x512xf32>
      tpu.vector_store %arg9[%swap3A_90, %swap3A_91], %add3A_89 {strides = array<i32>} : memref<1024x512xf32, #tpu.memory_space<vmem>>, vector<1024x512xf32>,
      %tanh3A_93 = math.tanh %add3A_89 : vector<1024x512xf32>
      %mul3A_94 = arith.mulf %logistic3A_83, %tanh3A_93 : vector<1024x512xf32>
      %convert_element_type3A_95 = arith.truncf %mul3A_94 : vector<1024x512xf32> to vector<1024x512xbf16>
      %swap3A_96 = arith.constant 0 : index
      %swap3A_97 = arith.constant 0 : index
      %swap3A_98 = vector.load %arg8[%swap3A_96, %swap3A_97] : memref<1024x512xbf16, #tpu.memory_space<vmem>>, vector<1024x512xbf16>
      tpu.vector_store %arg8[%swap3A_96, %swap3A_97], %convert_element_type3A_95 {strides = array<i32>} : memref<1024x512xbf16, #tpu.memory_space<vmem>>, vector<1024x512xbf16>,
    }
    %scan3A_11 = arith.constant 20 : i32
    %get3A = arith.constant 0 : index
    %get3A_12 = arith.constant 0 : index
    %get3A_13 = vector.load %arg8[%get3A, %get3A_12] : memref<1024x512xbf16, #tpu.memory_space<vmem>>, vector<1024x512xbf16>
    %get3A_14 = arith.constant 0 : index
    %get3A_15 = arith.constant 0 : index
    %get3A_16 = vector.load %arg5[%get3A_14, %get3A_15] : memref<512x128xbf16, #tpu.memory_space<vmem>>, vector<512x128xbf16>
    %dot_general3A = arith.constant dense<0.000000e+00> : vector<1024x128xf32>
    %dot_general3A_17 = tpu.matmul %get3A_13, %get3A_16, %dot_general3A {dimension_numbers = #tpu.dot_dimension_numbers<[1], [0], [0], [1], [0, 0, 1, 1], [], []>, transpose_lhs_hint = false} : vector<1024x512xbf16>, vector<512x128xbf16>, vector<1024x128xf32> -> vector<1024x128xf32>
    %get3A_18 = arith.constant 0 : index
    %get3A_19 = arith.constant 0 : index
    %get3A_20 = vector.load %arg6[%get3A_18, %get3A_19] : memref<1x128xf32, #tpu.memory_space<vmem>>, vector<1x128xf32>
    %add3A = vector.broadcast %get3A_20 : vector<1x128xf32> to vector<1024x128xf32>
    %add3A_21 = arith.addf %dot_general3A_17, %add3A : vector<1024x128xf32>
    %swap3A_22 = arith.constant 0 : index
    %swap3A_23 = arith.constant 0 : index
    %swap3A_24 = vector.load %arg7[%swap3A_22, %swap3A_23] : memref<1024x128xf32, #tpu.memory_space<vmem>>, vector<1024x128xf32>
    tpu.vector_store %arg7[%swap3A_22, %swap3A_23], %add3A_21 {strides = array<i32>} : memref<1024x128xf32, #tpu.memory_space<vmem>>, vector<1024x128xf32>,
    return
  }
}

</mosaic_0001>

<sc_bundles>
// kernel: kernel.5.cloned.1.call-start
scs
__scs_entry_jumppad:
0x0: {  	(pc) =	sbr.rel $0x88, $3  }
0x1: {  	(tag) =	ssettag $0x0;
	lr =	simm.s32 $0x1  }
0x2: {  	[smem:$0x3F99] =	sst lr;
	_ =	strace $0xD0000000  }
0x3: {  	_ = 	snop  }
0x4: {  	_ = 	snop  }
0x5: {  	_ = 	snop  }
0x6: {  	_ = 	snop  }
0x7: {  	_ = 	snop  }
__scs_overlays_trampoline_lowered:
0x8: {  	[smem:$0x3FA8] =	sst s0  }
0x9: {  	[smem:$0x3FA9] =	sst s1  }
0xa: {  	[smem:$0x3FAA] =	sst s2  }
0xb: {  	[smem:$0x3FAB] =	sst s3  }
0xc: {  	[smem:$0x3FAC] =	sst s4  }
0xd: {  	[smem:$0x3FAD] =	sst s5  }
0xe: {  	[smem:$0x3FAE] =	sst s6  }
0xf: {  	[smem:$0x3FAF] =	sst s7  }
0x10: {  	[smem:$0x3FB0] =	sst s8  }
0x11: {  	[smem:$0x3FB1] =	sst s9;
	s0 =	simm.s32 @!p0 $0x0  }
0x12: {  	s1 =	sld [smem:$0x3F97];
	s0 =	simm.s32 @p0 $0x1  }
0x13: {  	[smem:$0x3FB2] =	sst s0;
	s0 =	simm.s32 @!p1 $0x0  }
0x14: {  	s2 =	sld [smem:$0x3F96];
	s0 =	simm.s32 @p1 $0x1  }
0x15: {  	[smem:$0x3FB3] =	sst s0;
	s0 =	simm.s32 @!p2 $0x0  }
0x16: {  	s3 =	sld [smem:$0x3FDB];
	s0 =	simm.s32 @p2 $0x1  }
0x17: {  	s4 =	simm.s32 $0x1BF5;
	[smem:$0x3FB5] =	sst s0  }
0x18: {  	s0 =	sld [smem:$0x3F98];
	_ =	swait.ge [sflag:s4], $0x0  }
0x19: {  	s7 =	sld [smem:$0x3F99]  }
0x1a: {  	s8 =	sadd.s32 $0xFFFFE003, lr  }
0x1b: {  	s9 =	sadd.s32 $0xFFFFFEF7, lr;
	s5 =	simm.s32 $0xFFFFFFFF;
	p2 =	slt.u32 s8, $0xFFFFF086  }
0x1c: {  	p1 =	slt.u32 s9, $0xF7A;
	s5 =	simm.s32 @!p2 $0x0  }
0x1d: {  	s5 =	simm.s32 @p1 $0x1;
	p0 =	seq.s32 s7, s2  }
0x1e: {  	s7 =	smul.u32 @!p0 $0xF7A, s2;
	p2 =	seq.s32 @!p0 s5, $0x0  }
0x1f: {  	s9 =	smul.u32 $0xF7A, s1;
	s8 =	simm.s32 @!p0 $0x1BF5;
	p2 =	por !p2, p0  }
0x20: {  	[sflag:s8] =	ssyncset.s32 @!p0 $0xFFFFF086;
	s6 =	sadd.s32 @!p0 s3, s7;
	s7 =	simm.s32 @!p0 $0x108  }
0x21: {  	s3 =	sadd.s32 s3, s9;
	s6 =	sadd.s32 @!p0 $0x88, s6;
	s7 =	simm.s32 @p2 $0x1082  }
0x22: {  	[simem:s7], [sflag:s8] =	dma.local @!p0 [hbm:s6], $0xF7A  }
0x23: {  	s9 =	sor.u32 $0xD0000000, s2;
	s6 =	simm.s32 $0x108;
	_ =	swait.ge @!p0 [sflag:s8], $0x0  }
0x24: {  	s3 =	sadd.s32 $0x88, s3;
	s6 =	simm.s32 @!p1 $0x1082;
	[sflag:s4] =	ssyncset.s32 $0xFFFFF086  }
0x25: {  	[simem:s6], [sflag:s4] =	dma.local [hbm:s3], $0xF7A  }
0x26: {  	[smem:$0x3F99] =	sst s1;
	(tag) =	ssettag s2;
	_ =	strace s9  }
0x27: {  	s1 =	sld [smem:$0x3FA9]  }
0x28: {  	s2 =	sld [smem:$0x3FAA]  }
0x29: {  	s4 =	sld [smem:$0x3FAC]  }
0x2a: {  	p0 =	seq.s32 s5, $0x0;
	s5 =	sld [smem:$0x3FAD]  }
0x2b: {  	s6 =	sld [smem:$0x3FAE]  }
0x2c: {  	s7 =	sld [smem:$0x3FAF]  }
0x2d: {  	s3 =	simm.s32 $0x108;
	s8 =	sld [smem:$0x3FB0]  }
0x2e: {  	s3 =	simm.s32 @!p0 $0x1082;
	s9 =	sld [smem:$0x3FB1]  }
0x2f: {  	lr =	sadd.s32 s0, s3;
	s0 =	sld [smem:$0x3FA8]  }
0x30: {  	s3 =	sld [smem:$0x3FAB]  }
0x31: {  	[smem:$0x3FB4] =	sst s10  }
0x32: {  	s10 =	sld [smem:$0x3FB2];
	_ =	sdelay $0x3  }
0x33: {  	p0 =	seq.s32 s10, $0x1;
	s10 =	sld [smem:$0x3FB4];
	_ =	sdelay $0x3  }
0x34: {  	[smem:$0x3FB4] =	sst s10  }
0x35: {  	s10 =	sld [smem:$0x3FB3];
	_ =	sdelay $0x3  }
0x36: {  	p1 =	seq.s32 s10, $0x1;
	s10 =	sld [smem:$0x3FB4];
	_ =	sdelay $0x3  }
0x37: {  	[smem:$0x3FB4] =	sst s10  }
0x38: {  	s10 =	sld [smem:$0x3FB5]  }
0x39: {  	_ = 	snop;
	(pc) =	sbr.ind lr, $3  }
0x3a: {  	_ = 	snop  }
0x3b: {  	_ = 	snop  }
0x3c: {  	p2 =	seq.s32 s10, $0x1;
	s10 =	sld [smem:$0x3FB4]  }
0x3d: {  	_ =	shalt  }
0x3e: {  	_ =	shalt  }
0x3f: {  	_ =	shalt  }
0x40: {  	_ =	shalt  }
0x41: {  	_ =	shalt  }
0x42: {  	_ =	shalt  }
0x43: {  	_ =	shalt  }
0x44: {  	_ =	shalt  }
0x45: {  	_ =	shalt  }
0x46: {  	_ =	shalt  }
0x47: {  	_ =	shalt  }
0x48: {  	_ =	shalt  }
0x49: {  	_ =	shalt  }
0x4a: {  	_ =	shalt  }
0x4b: {  	_ =	shalt  }
0x4c: {  	_ =	shalt  }
0x4d: {  	_ =	shalt  }
0x4e: {  	_ =	shalt  }
0x4f: {  	_ =	shalt  }
0x50: {  	_ =	shalt  }
0x51: {  	_ =	shalt  }
0x52: {  	_ =	shalt  }
0x53: {  	_ =	shalt  }
0x54: {  	_ =	shalt  }
0x55: {  	_ =	shalt  }
0x56: {  	_ =	shalt  }
0x57: {  	_ =	shalt  }
0x58: {  	_ =	shalt  }
0x59: {  	_ =	shalt  }
0x5a: {  	_ =	shalt  }
0x5b: {  	_ =	shalt  }
0x5c: {  	_ =	shalt  }
0x5d: {  	_ =	shalt  }
0x5e: {  	_ =	shalt  }
0x5f: {  	_ =	shalt  }
0x60: {  	_ =	shalt  }
0x61: {  	_ =	shalt  }
0x62: {  	_ =	shalt  }
0x63: {  	_ =	shalt  }
0x64: {  	_ =	shalt  }
0x65: {  	_ =	shalt  }
0x66: {  	_ =	shalt  }
0x67: {  	_ =	shalt  }
0x68: {  	_ =	shalt  }
0x69: {  	_ =	shalt  }
0x6a: {  	_ =	shalt  }
0x6b: {  	_ =	shalt  }
0x6c: {  	_ =	shalt  }
0x6d: {  	_ =	shalt  }
0x6e: {  	_ =	shalt  }
0x6f: {  	_ =	shalt  }
0x70: {  	_ =	shalt  }
0x71: {  	_ =	shalt  }
0x72: {  	_ =	shalt  }
0x73: {  	_ =	shalt  }
0x74: {  	_ =	shalt  }
0x75: {  	_ =	shalt  }
0x76: {  	_ =	shalt  }
0x77: {  	_ =	shalt  }
0x78: {  	_ =	shalt  }
0x79: {  	_ =	shalt  }
0x7a: {  	_ =	shalt  }
0x7b: {  	_ =	shalt  }
0x7c: {  	_ =	shalt  }
0x7d: {  	_ =	shalt  }
0x7e: {  	_ =	shalt  }
0x7f: {  	_ =	shalt  }
0x80: {  	_ =	shalt  }
0x81: {  	_ =	shalt  }
0x82: {  	_ =	shalt  }
0x83: {  	_ =	shalt  }
0x84: {  	_ =	shalt  }
0x85: {  	_ =	shalt  }
0x86: {  	_ =	shalt  }
0x87: {  	_ =	shalt  }
.Lfunc_end0:
.L_simem_size_0:
called_computation_lowered:
.L_overlay_start_0:
0x88: {  	s2 =	sld [smem:$0x3FD9]  }
0x89: {  	s3 =	sld [smem:$0x3FFE];
	_ =	sdelay $0x1  }
0x8a: {  	s1 =	srdreg.scid  }
0x8b: {  	s0 =	sand.u32 $0x1, s1  }
0x8c: {  	s16 =	sshll.u32 s0, $0xA;
	s2 =	sadd.s32 s3, s2  }
0x8d: {  	s2 =	sadd.s32 s2, s16  }
0x8e: {  	[smem:$0x3FC0] =	sst s2  }
0x8f: {  	_ = 	snop  }
0x90: {  	(tm) =	ssettm $0x1  }
0x91: {  	s17 =	sld [smem:$0x3FFB];
	_ =	sdelay $0x3  }
0x92: {  	_ =	strace s17  }
0x93: {  	s2 =	sld [smem:$0x3FFC];
	_ =	sdelay $0x3  }
0x94: {  	_ =	strace s2  }
0x95: {  	s2 =	sld [smem:$0x3FFD];
	_ =	sdelay $0x3  }
0x96: {  	_ =	strace s2  }
0x97: {  	_ =	strace $0x8FFFFFFF  }
0x98: {  	s18 =	sld [smem:$0x3FDB];
	_ =	sdelay $0x1  }
0x99: {  	s19 =	simm.s32 $_scs_section_size  }
0x9a: {  	s4 =	simm.s32 $_size__tile_overlayer_lowered;
	s5 =	simm.s32 $_tile_overlayer_lowered  }
0x9b: {  	s22 =	simm.s32 $0x1BFF;
	s21 =	sshll.u32 s5, $0x1;
	s2 =	sadd.s32 s19, s18  }
0x9c: {  	s6 =	simm.s32 $0x0;
	s20 =	sshll.u32 s4, $0x1;
	s4 =	sadd.s32 s21, s2  }
0x9d: {  	[timem:s6], [sflag:s22] =	dma.local [hbm:s4], s20  }
0x9e: {  	_ =	swait.ge [sflag:s22], s20  }
0x9f: {  	s3 =	ssub.s32 $0x0, s20;
	[sflag:s22] =	ssyncset.done $0x0  }
0xa0: {  	[sflag:s22] =	ssyncadd.s32 s3;
	_ =	sdelay $0x1  }
0xa1: {  	s23 =	simm.s32 $0x1B8B  }
0xa2: {  	_ =	swait.ge [sflag:s23], $0x1  }
0xa3: {  	[sflag:s23] =	ssyncset.done $0x0  }
0xa4: {  	s25 =	simm.s32 $0x1B8E;
	s24 =	sld [smem:$0x3FFE];
	[sflag:s23] =	ssyncadd.s32 $0xFFFFFFFF  }
0xa5: {  	s26 =	simm.s32 $execute0_lowered;
	[smem:$0x3FD2] =	sst s25  }
0xa6: {  	s4 =	sshll.u32 s26, $0x1;
	_ =	strace $0x80000046;
	[dreg:$0x1] =	wrdreg $0xFFFFFFFF  }
0xa7: {  	s28 =	simm.s32 $_size_execute0_lowered;
	s2 =	sadd.s32 s2, s4;
	[dreg:$0x0] =	wrdreg $0x0  }
0xa8: {  	s4 =	sshll.u32 s28, $0x1;
	[dreg:$0x2] =	wrdreg s2  }
0xa9: {  	[dreg:$0x3] =	wrdreg s4  }
0xaa: {  	[dreg:$0x4] =	wrdreg $0xC0  }
0xab: {  	_ =	task [dreg:s6], $0x5FFFF  }
0xac: {  	[dreg:$0x1] =	wrdreg $0xFFFFFFFF  }
0xad: {  	[dreg:$0x0] =	wrdreg $0x60  }
0xae: {  	[dreg:$0x2] =	wrdreg s24  }
0xaf: {  	[dreg:$0x3] =	wrdreg $0x9  }
0xb0: {  	_ =	task.clear_ibuf [dreg:s6], $0x4FFFF;
	_ =	strace $0x90000046  }
0xb1: {  	s29 =	simm.s32 $0x9;
	_ =	strace $0x80000048  }
0xb2: {  	_ =	swait.ge [sflag:s29], $0x1  }
0xb3: {  	[sflag:s29] =	ssyncadd.s32 $0xFFFFFFFF  }
0xb4: {  	_ =	strace $0x90000048  }
0xb5: {  	_ =	sfence  }
0xb6: {  	s30 =	sld [smem:$0x0];
	_ =	sdelay $0x2  }
0xb7: {  	s31 =	sshll.u32 s1, $0xD;
	s1 =	sshrl.u32 s1, $0x2  }
0xb8: {  	s3 =	sand.u32 $0x4000, s31;
	s1 =	sadd.s32 s1, s30  }
0xb9: {  	s0 =	sor.u32 s3, s0;
	s1 =	sshll.u32 s1, $0x11  }
0xba: {  	s0 =	sor.u32 s1, s0  }
0xbb: {  	s0 =	sadd.s32 $0x8F2B, s0  }
0xbc: {  	[sflag:s0] =	ssyncadd.remote.s32 $0x1  }
0xbd: {  	_ =	sfence.sel $0xFFFF  }
0xbe: {  	[dreg:$0x0] =	wrdreg $0xFFFFFFFF;
	(pc) =	sbr.abs _section_cstart, $3  }
0xbf: {  	[dreg:$0x1] =	wrdreg $0xFFFFFFFF  }
0xc0: {  	_ =	task.clear_ibuf [dreg:s6], $0x2FFFF;
	_ =	strace $0x9FFFFFFF  }
0xc1: {  	(tm) =	ssettm $0x7FFFFFFF  }
tec
execute0_lowered:
.L_overlay_start_1:
0x0: {  	(tag) =	ssettag $0x1  }
0x1: {  	s1 =	srdreg.scid;
	s0 =	stileid.u32  }
0x2: {  	s6 =	sand.u32 $0x1, s1;
	s30 =	sshll.u32 s0, $0x1  }
0x3: {  	s8 =	rddreg [dreg:$0x0];
	s7 =	sor.u32 s6, s30  }
0x4: {  	s2 =	simm.s32 $0x0;
	s1 =	rddreg [dreg:$0x1];
	s3 =	smul.u32 $0x50, s7  }
0x5: {  	[smem:$0x7FF] =	sst s2;
	s5 =	sadd.s32 $0x2800, s8  }
0x6: {  	_ =	strace $0x80000047;
	s10 =	ssub.s32 $0x2, s6;
	s3 =	sadd.s32 s3, s8  }
0x7: {  	s6 =	simm.s32 $0x280;
	s4 =	sadd.s32 $0x1E00, s3;
	s3 =	simm.s32 $0x2  }
0x8: {  	[tilespmem:s2], [sflag:$0x2] =	stream.linear.gather [hbm4b:s4+s2], $0x280, $0x38;
	[tilespmem:$0x14280] =	vst v63  }
0x9: {  	s9 =	smul.u32 $0x2800, s7;
	s11 =	sshrl.u32 s10, $0x1;
	_ =	swait.ge [sflag:s3], $0x280  }
0xa: {  	s7 =	simm.s32 $0x1;
	s31 =	ssub.s32 s10, s11;
	[sflag:s3] =	ssyncset.done $0x0  }
0xb: {  	s8 =	sadd.s32 s9, s8;
	s9 =	smax.u32 s31, $0x1;
	[sflag:s3] =	ssyncadd.s32 $0xFFFFFD80  }
0xc: {  	[tilespmem:s6], [sflag:$0x1] =	stream.indirect.gather [hbm4b:s5+s6], $0x80, s2, s6, $0xb8;
	[tilespmem:$0x14280] =	vst v63  }
0xd: {  	p0 =	sne.s32 s9, $0x1;
	_ =	swait.ge [sflag:s7], $0x14000  }
.Ltmp0:
0xe: {  	[sflag:s7] =	ssyncset.done $0x0;
	(pc) =	sbr.rel @!p0 .LBB2_2-.Ltmp0, $4  }
0xf: {  	s8 =	sadd.s32 $0x7C2800, s8;
	[sflag:s7] =	ssyncadd.s32 $0xFFFEC000  }
0x10: {  	[hbm4b:s8+s2] =	stream.linear.scatter [tilespmem:s6], [sflag:$0x2], $0x14000, $0x38;
	[tilespmem:$0x14280] =	vst v63  }
0x11: {  	_ =	swait.ge [sflag:s3], $0x14000  }
0x12: {  	s9 =	sadd.s32 $0xFFFFFFFF, s9;
	[sflag:s3] =	ssyncset.done $0x0  }
.LBB2_1:
0x13: {  	p0 =	sne.s32 s9, $0x1;
	s9 =	sadd.s32 $0xFFFFFFFF, s9;
	[sflag:s3] =	ssyncadd.s32 $0xFFFEC000  }
0x14: {  	[tilespmem:s2], [sflag:$0x2] =	stream.linear.gather [hbm4b:s4+s2], $0x280, $0x38;
	[tilespmem:$0x14280] =	vst v63  }
0x15: {  	_ =	swait.ge [sflag:s3], $0x280  }
0x16: {  	[sflag:s3] =	ssyncset.done $0x0  }
0x17: {  	[sflag:s3] =	ssyncadd.s32 $0xFFFFFD80  }
0x18: {  	[tilespmem:s6], [sflag:$0x1] =	stream.indirect.gather [hbm4b:s5+s6], $0x80, s2, s6, $0xb8;
	[tilespmem:$0x14280] =	vst v63  }
0x19: {  	_ =	swait.ge [sflag:s7], $0x14000  }
.Ltmp1:
0x1a: {  	[sflag:s7] =	ssyncset.done $0x0;
	(pc) =	sbr.rel @p0 .LBB2_1-.Ltmp1, $4  }
0x1b: {  	[sflag:s7] =	ssyncadd.s32 $0xFFFEC000  }
0x1c: {  	[hbm4b:s8+s2] =	stream.linear.scatter [tilespmem:s6], [sflag:$0x2], $0x14000, $0x38;
	[tilespmem:$0x14280] =	vst v63  }
0x1d: {  	_ =	swait.ge [sflag:s3], $0x14000  }
0x1e: {  	[sflag:s3] =	ssyncset.done $0x0  }
.LBB2_2:
0x1f: {  	[sflag:s3] =	ssyncadd.s32 $0xFFFEC000  }
0x20: {  	_ =	sfence.sel $0x180000  }
0x21: {  	[bflag:$0x0] =	sbarrier.arrive $0xFFFF  }
0x22: {  	p0 =	sne.s32 s0, $0x0;
	_ =	strace $0x90000047  }
0x23: {  	s0 =	sadd.s32 @!p0 $0x100000, s1;
	[bflag:$0x2] =	sbarrier.arrive $0xFFFF  }
0x24: {  	[sflag:s0] =	ssyncadd.tile.s32 @!p0 $0x1;
	_ =	shalt  }
.Lfunc_end2:
_tile_overlayer_lowered:
.L_overlay_start_2:
0x25: {  	(tag) =	ssettag $0x2  }
0x26: {  	s0 =	rddreg [dreg:$0x0];
	s2 =	stileid.u32  }
0x27: {  	s1 =	rddreg [dreg:$0x1];
	p0 =	sne.s32 s2, $0x0  }
0x28: {  	s3 =	rddreg [dreg:$0x2];
	[bflag:$0x3] =	sbarrier.arrive $0xFFFF;
	s2 =	simm.s32 @!p0 $0x1C02  }
0x29: {  	[timem:s3], [sflag:s2] =	dma.local @!p0 [hbm:s0], s1  }
0x2a: {  	s0 =	simm.s32 @!p0 $0x2  }
0x2b: {  	_ =	swait.ge @!p0 [sflag:s0], s1  }
0x2c: {  	s1 =	ssub.s32 @!p0 $0x0, s1;
	[sflag:s0] =	ssyncset.done @!p0 $0x0  }
0x2d: {  	[sflag:s0] =	ssyncadd.s32 @!p0 s1  }
0x2e: {  	[bflag:$0x3] =	sbarrier.arrive $0xFFFF  }
0x2f: {  	_ =	shalt  }

</sc_bundles>
